<compile_context>
chip_gen: v7x
topology: tpu7x:2x2x1
jax: 0.10.2.dev20260603
libtpu: 0.0.44.dev20260713+nightly
codegen_flags: <defaults>
</compile_context>

<pallas_src>
import functools

import jax
import jax.numpy as jnp
from jax import lax
from jax.experimental import pallas as pl
from jax.experimental.pallas import tpu as pltpu
from jax.experimental.pallas import tpu_sc as plsc

L = 16
NC = 2
NS = 16
NW = NC * NS
D = 128
R = 64 * 8192
ROWS_PER_W = R // NW
CH = 128
NCH = ROWS_PER_W // CH
CHW = CH * D


def _sc_permute(x_flat, perm):
    mesh = plsc.VectorSubcoreMesh(core_axis_name="c", subcore_axis_name="s")

    @functools.partial(
        pl.kernel,
        out_type=jax.ShapeDtypeStruct((R * D,), jnp.float32),
        mesh=mesh,
        compiler_params=pltpu.CompilerParams(needs_layout_passes=False),
        scratch_types=[
            pltpu.VMEM((D,), jnp.int32),
            pltpu.VMEM((CHW,), jnp.float32),
            pltpu.VMEM((CHW,), jnp.float32),
            pltpu.VMEM((CHW,), jnp.float32),
            pltpu.VMEM((CHW,), jnp.float32),
            pltpu.SemaphoreType.DMA,
            pltpu.SemaphoreType.DMA,
            pltpu.SemaphoreType.DMA,
            pltpu.SemaphoreType.DMA,
        ],
    )
    def k(x_hbm, perm_hbm, out_hbm, perm_v, in0, in1, out0, out1,
          in_sem0, in_sem1, out_sem0, out_sem1):
        wid = lax.axis_index("s") * NC + lax.axis_index("c")
        base = wid * (ROWS_PER_W * D)
        pltpu.sync_copy(perm_hbm, perm_v)

        ins = (in0, in1)
        outs = (out0, out1)
        in_sems = (in_sem0, in_sem1)
        out_sems = (out_sem0, out_sem1)

        def in_copy(chunk, b):
            return pltpu.make_async_copy(
                x_hbm.at[pl.ds(base + chunk * CHW, CHW)], ins[b], in_sems[b])

        def out_copy(chunk, b):
            return pltpu.make_async_copy(
                outs[b], out_hbm.at[pl.ds(base + chunk * CHW, CHW)],
                out_sems[b])

        in_copy(0, 0).start()
        in_copy(1, 1).start()

        pjs = [perm_v[pl.ds(j * L, L)] for j in range(D // L)]

        def compute(b):
            src = ins[b]
            dst = outs[b]

            def row_body(r, carry):
                base = r * D
                vals = [plsc.load_gather(src, [pjs[j] + base])
                        for j in range(D // L)]
                for j in range(D // L):
                    dst[pl.ds(base + j * L, L)] = vals[j]
                return carry

            lax.fori_loop(0, CH, row_body, 0, unroll=2)

        def chunk_body(i, carry):
            for b in range(2):
                chunk = 2 * i + b
                in_copy(chunk, b).wait()

                @pl.when(chunk >= 2)
                def _wait_out():
                    out_copy(chunk - 2, b).wait()

                compute(b)

                @pl.when(chunk + 2 < NCH)
                def _next_in():
                    in_copy(chunk + 2, b).start()

                out_copy(chunk, b).start()
            return carry

        lax.fori_loop(0, NCH // 2, chunk_body, 0)
        out_copy(NCH - 2, 0).wait()
        out_copy(NCH - 1, 1).wait()

    return k(x_flat, perm)


def kernel(x_in, inds_perm):
    x_flat = x_in.reshape(-1)
    out = _sc_permute(x_flat, inds_perm)
    return (out.reshape(x_in.shape), 0.0)

# --- scband reference (transcript-rebuilt; emitter-appended) ---
"""Pipeline reference for scband-permute-23252952940931 (READ-ONLY COPY).

The authoritative reference and input builder live on the scoring server;
editing this copy changes nothing except your own understanding.
"""

import jax, jax.numpy as jnp
import numpy as np


def setup_inputs(seed: int = 0) -> dict:
    key = jax.random.key(seed)
    x_in = jax.random.normal(key, (64, 8192, 128), dtype=jnp.float32)
    # inds_perm buffer per init_kwargs: reversal permutation of length 128
    inds_perm = jnp.arange(127, -1, -1, dtype=jnp.int32)
    return {"x_in": x_in, "inds_perm": inds_perm}


def reference(x_in, inds_perm):
    # Faithful translation of Permute.forward: x_in[..., inds_perm], plus 0.0 log-det term
    out = jnp.take(x_in, inds_perm, axis=-1)
    return (out, 0.0)

if __name__ == "__main__":
    import jax
    _d = setup_inputs()
    print(jax.jit(kernel)(*tuple(_d.values())))

</pallas_src>

<mosaic_0001>
#map = affine_map<(d0, d1) -> (0)>
module attributes {stable_mosaic.version = 14 : i64} {
  func.func @k(%arg0: i32, %arg1: i32, %arg2: memref<67108864xf32, #tpu.memory_space<hbm>>, %arg3: memref<128xi32, #tpu.memory_space<hbm>>, %arg4: memref<67108864xf32, #tpu.memory_space<hbm>>, %arg5: memref<128xi32, #tpu.memory_space<vmem>>, %arg6: memref<16384xf32, #tpu.memory_space<vmem>>, %arg7: memref<16384xf32, #tpu.memory_space<vmem>>, %arg8: memref<16384xf32, #tpu.memory_space<vmem>>, %arg9: memref<16384xf32, #tpu.memory_space<vmem>>, %arg10: memref<!tpu.dma_semaphore, #tpu.memory_space<semaphore_mem>>, %arg11: memref<!tpu.dma_semaphore, #tpu.memory_space<semaphore_mem>>, %arg12: memref<!tpu.dma_semaphore, #tpu.memory_space<semaphore_mem>>, %arg13: memref<!tpu.dma_semaphore, #tpu.memory_space<semaphore_mem>>) attributes {dimension_semantics = [#tpu.dimension_semantics<core_parallel>, #tpu.dimension_semantics<subcore_parallel>], iteration_bounds = array<i64: 2, 16>, scalar_prefetch = 0 : i64, scratch_operands = 9 : i64, tpu.core_type = #tpu.core_type<sc_vector_subcore>, window_params = [{transform_indices = #map}, {transform_indices = #map}, {transform_indices = #map}]} {
    %mul3A = arith.constant 2 : i32
    %mul3A_0 = arith.muli %arg1, %mul3A : i32
    %add3A = arith.addi %mul3A_0, %arg0 : i32
    %mul3A_1 = arith.constant 2097152 : i32
    %mul3A_2 = arith.muli %add3A, %mul3A_1 : i32
    "tpu.region"() ({
      %run_scoped3A = tpu.sem_alloc : memref<!tpu.dma_semaphore, #tpu.memory_space<semaphore_mem>>
      tpu.enqueue_dma source(%arg3 : memref<128xi32, #tpu.memory_space<hbm>>) target(%arg5 : memref<128xi32, #tpu.memory_space<vmem>>) target_semaphore(%run_scoped3A : memref<!tpu.dma_semaphore, #tpu.memory_space<semaphore_mem>>)
      tpu.wait_dma2 semaphore(%run_scoped3A : memref<!tpu.dma_semaphore, #tpu.memory_space<semaphore_mem>>) src(%arg3 : memref<128xi32, #tpu.memory_space<hbm>>) dst(%arg5 : memref<128xi32, #tpu.memory_space<vmem>>)
      tpu.yield
    }) : () -> ()
    %add3A_3 = arith.constant 0 : i32
    %add3A_4 = arith.addi %mul3A_2, %add3A_3 : i32
    %dma_start3A = tpu.memref_slice %arg2[%add3A_4] : memref<67108864xf32, #tpu.memory_space<hbm>> -> memref<16384xf32, #tpu.memory_space<hbm>>
    %dma_start3A_5 = tpu.memref_slice %arg2[%add3A_4] : memref<67108864xf32, #tpu.memory_space<hbm>> -> memref<16384xf32, #tpu.memory_space<hbm>>
    tpu.enqueue_dma source(%dma_start3A_5 : memref<16384xf32, #tpu.memory_space<hbm>>) target(%arg6 : memref<16384xf32, #tpu.memory_space<vmem>>) target_semaphore(%arg10 : memref<!tpu.dma_semaphore, #tpu.memory_space<semaphore_mem>>)
    %add3A_6 = arith.constant 16384 : i32
    %add3A_7 = arith.addi %mul3A_2, %add3A_6 : i32
    %dma_start3A_8 = tpu.memref_slice %arg2[%add3A_7] : memref<67108864xf32, #tpu.memory_space<hbm>> -> memref<16384xf32, #tpu.memory_space<hbm>>
    %dma_start3A_9 = tpu.memref_slice %arg2[%add3A_7] : memref<67108864xf32, #tpu.memory_space<hbm>> -> memref<16384xf32, #tpu.memory_space<hbm>>
    tpu.enqueue_dma source(%dma_start3A_9 : memref<16384xf32, #tpu.memory_space<hbm>>) target(%arg7 : memref<16384xf32, #tpu.memory_space<vmem>>) target_semaphore(%arg11 : memref<!tpu.dma_semaphore, #tpu.memory_space<semaphore_mem>>)
    %get3A = arith.constant 0 : index
    %get3A_10 = tpu.vector_load %arg5[%get3A] {strides = array<i32>} : memref<128xi32, #tpu.memory_space<vmem>>, vector<16xi32>,
    %get3A_11 = arith.constant 16 : index
    %get3A_12 = tpu.vector_load %arg5[%get3A_11] {strides = array<i32>} : memref<128xi32, #tpu.memory_space<vmem>>, vector<16xi32>,
    %get3A_13 = arith.constant 32 : index
    %get3A_14 = tpu.vector_load %arg5[%get3A_13] {strides = array<i32>} : memref<128xi32, #tpu.memory_space<vmem>>, vector<16xi32>,
    %get3A_15 = arith.constant 48 : index
    %get3A_16 = tpu.vector_load %arg5[%get3A_15] {strides = array<i32>} : memref<128xi32, #tpu.memory_space<vmem>>, vector<16xi32>,
    %get3A_17 = arith.constant 64 : index
    %get3A_18 = tpu.vector_load %arg5[%get3A_17] {strides = array<i32>} : memref<128xi32, #tpu.memory_space<vmem>>, vector<16xi32>,
    %get3A_19 = arith.constant 80 : index
    %get3A_20 = tpu.vector_load %arg5[%get3A_19] {strides = array<i32>} : memref<128xi32, #tpu.memory_space<vmem>>, vector<16xi32>,
    %get3A_21 = arith.constant 96 : index
    %get3A_22 = tpu.vector_load %arg5[%get3A_21] {strides = array<i32>} : memref<128xi32, #tpu.memory_space<vmem>>, vector<16xi32>,
    %get3A_23 = arith.constant 112 : index
    %get3A_24 = tpu.vector_load %arg5[%get3A_23] {strides = array<i32>} : memref<128xi32, #tpu.memory_space<vmem>>, vector<16xi32>,
    %scan3A = arith.constant 0 : i32
    %scan3A_25 = arith.constant 0 : i32
    %scan3A_26 = arith.constant 64 : i32
    %scan3A_27 = arith.addi %scan3A_25, %scan3A_26 : i32
    %scan3A_28 = arith.constant 1 : i32
    scf.for %scan3A_37 = %scan3A_25 to %scan3A_27 step %scan3A_28  : i32 {
      %mul3A_38 = arith.constant 2 : i32
      %mul3A_39 = arith.muli %mul3A_38, %scan3A_37 : i32
      %add3A_40 = arith.constant 0 : i32
      %add3A_41 = arith.addi %mul3A_39, %add3A_40 : i32
      %mul3A_42 = arith.constant 16384 : i32
      %mul3A_43 = arith.muli %add3A_41, %mul3A_42 : i32
      %add3A_44 = arith.addi %mul3A_2, %mul3A_43 : i32
      %dma_wait3A_45 = tpu.memref_slice %arg2[%add3A_44] : memref<67108864xf32, #tpu.memory_space<hbm>> -> memref<16384xf32, #tpu.memory_space<hbm>>
      %dma_wait3A_46 = tpu.memref_slice %arg2[%add3A_44] : memref<67108864xf32, #tpu.memory_space<hbm>> -> memref<16384xf32, #tpu.memory_space<hbm>>
      tpu.wait_dma2 semaphore(%arg10 : memref<!tpu.dma_semaphore, #tpu.memory_space<semaphore_mem>>) src(%dma_wait3A_46 : memref<16384xf32, #tpu.memory_space<hbm>>) dst(%arg6 : memref<16384xf32, #tpu.memory_space<vmem>>)
      %ge3A = arith.constant 2 : i32
      %ge3A_47 = arith.cmpi sge, %add3A_41, %ge3A : i32
      %convert_element_type3A = arith.extui %ge3A_47 : i1 to i32
      %cond3A = arith.constant 0 : i32
      %cond3A_48 = arith.cmpi ne, %convert_element_type3A, %cond3A : i32
      scf.if %cond3A_48 {
        %sub3A = arith.constant 2 : i32
        %sub3A_98 = arith.subi %add3A_41, %sub3A : i32
        %mul3A_99 = arith.constant 16384 : i32
        %mul3A_100 = arith.muli %sub3A_98, %mul3A_99 : i32
        %add3A_101 = arith.addi %mul3A_2, %mul3A_100 : i32
        %dma_wait3A_102 = tpu.memref_slice %arg4[%add3A_101] : memref<67108864xf32, #tpu.memory_space<hbm>> -> memref<16384xf32, #tpu.memory_space<hbm>>
        %dma_wait3A_103 = tpu.memref_slice %arg4[%add3A_101] : memref<67108864xf32, #tpu.memory_space<hbm>> -> memref<16384xf32, #tpu.memory_space<hbm>>
        tpu.wait_dma2 semaphore(%arg12 : memref<!tpu.dma_semaphore, #tpu.memory_space<semaphore_mem>>) src(%arg8 : memref<16384xf32, #tpu.memory_space<vmem>>) dst(%dma_wait3A_103 : memref<16384xf32, #tpu.memory_space<hbm>>)
      } else {
      }
      %scan3A_49 = arith.constant 0 : i32
      %scan3A_50 = arith.constant 0 : i32
      %scan3A_51 = arith.constant 128 : i32
      %scan3A_52 = arith.addi %scan3A_50, %scan3A_51 : i32
      %scan3A_53 = arith.constant 2 : i32
      scf.for %scan3A_98 = %scan3A_50 to %scan3A_52 step %scan3A_53  : i32 {
        %mul3A_99 = arith.constant 128 : i32
        %mul3A_100 = arith.muli %scan3A_98, %mul3A_99 : i32
        %add3A_101 = vector.broadcast %mul3A_100 : i32 to vector<16xi32>
        %add3A_102 = arith.addi %get3A_10, %add3A_101 : vector<16xi32>
        %gather3A = tpu.vector_load_idx %arg6[%add3A_102] : memref<16384xf32, #tpu.memory_space<vmem>>[vector<16xi32>], vector<16xf32>,
        %add3A_103 = vector.broadcast %mul3A_100 : i32 to vector<16xi32>
        %add3A_104 = arith.addi %get3A_12, %add3A_103 : vector<16xi32>
        %gather3A_105 = tpu.vector_load_idx %arg6[%add3A_104] : memref<16384xf32, #tpu.memory_space<vmem>>[vector<16xi32>], vector<16xf32>,
        %add3A_106 = vector.broadcast %mul3A_100 : i32 to vector<16xi32>
        %add3A_107 = arith.addi %get3A_14, %add3A_106 : vector<16xi32>
        %gather3A_108 = tpu.vector_load_idx %arg6[%add3A_107] : memref<16384xf32, #tpu.memory_space<vmem>>[vector<16xi32>], vector<16xf32>,
        %add3A_109 = vector.broadcast %mul3A_100 : i32 to vector<16xi32>
        %add3A_110 = arith.addi %get3A_16, %add3A_109 : vector<16xi32>
        %gather3A_111 = tpu.vector_load_idx %arg6[%add3A_110] : memref<16384xf32, #tpu.memory_space<vmem>>[vector<16xi32>], vector<16xf32>,
        %add3A_112 = vector.broadcast %mul3A_100 : i32 to vector<16xi32>
        %add3A_113 = arith.addi %get3A_18, %add3A_112 : vector<16xi32>
        %gather3A_114 = tpu.vector_load_idx %arg6[%add3A_113] : memref<16384xf32, #tpu.memory_space<vmem>>[vector<16xi32>], vector<16xf32>,
        %add3A_115 = vector.broadcast %mul3A_100 : i32 to vector<16xi32>
        %add3A_116 = arith.addi %get3A_20, %add3A_115 : vector<16xi32>
        %gather3A_117 = tpu.vector_load_idx %arg6[%add3A_116] : memref<16384xf32, #tpu.memory_space<vmem>>[vector<16xi32>], vector<16xf32>,
        %add3A_118 = vector.broadcast %mul3A_100 : i32 to vector<16xi32>
        %add3A_119 = arith.addi %get3A_22, %add3A_118 : vector<16xi32>
        %gather3A_120 = tpu.vector_load_idx %arg6[%add3A_119] : memref<16384xf32, #tpu.memory_space<vmem>>[vector<16xi32>], vector<16xf32>,
        %add3A_121 = vector.broadcast %mul3A_100 : i32 to vector<16xi32>
        %add3A_122 = arith.addi %get3A_24, %add3A_121 : vector<16xi32>
        %gather3A_123 = tpu.vector_load_idx %arg6[%add3A_122] : memref<16384xf32, #tpu.memory_space<vmem>>[vector<16xi32>], vector<16xf32>,
        %add3A_124 = arith.constant 0 : i32
        %add3A_125 = arith.addi %mul3A_100, %add3A_124 : i32
        %swap3A = arith.index_cast %add3A_125 : i32 to index
        %swap3A_126 = tpu.vector_load %arg8[%swap3A] {strides = array<i32>} : memref<16384xf32, #tpu.memory_space<vmem>>, vector<16xf32>,
        tpu.vector_store %arg8[%swap3A], %gather3A {strides = array<i32>} : memref<16384xf32, #tpu.memory_space<vmem>>, vector<16xf32>,
        %add3A_127 = arith.constant 16 : i32
        %add3A_128 = arith.addi %mul3A_100, %add3A_127 : i32
        %swap3A_129 = arith.index_cast %add3A_128 : i32 to index
        %swap3A_130 = tpu.vector_load %arg8[%swap3A_129] {strides = array<i32>} : memref<16384xf32, #tpu.memory_space<vmem>>, vector<16xf32>,
        tpu.vector_store %arg8[%swap3A_129], %gather3A_105 {strides = array<i32>} : memref<16384xf32, #tpu.memory_space<vmem>>, vector<16xf32>,
        %add3A_131 = arith.constant 32 : i32
        %add3A_132 = arith.addi %mul3A_100, %add3A_131 : i32
        %swap3A_133 = arith.index_cast %add3A_132 : i32 to index
        %swap3A_134 = tpu.vector_load %arg8[%swap3A_133] {strides = array<i32>} : memref<16384xf32, #tpu.memory_space<vmem>>, vector<16xf32>,
        tpu.vector_store %arg8[%swap3A_133], %gather3A_108 {strides = array<i32>} : memref<16384xf32, #tpu.memory_space<vmem>>, vector<16xf32>,
        %add3A_135 = arith.constant 48 : i32
        %add3A_136 = arith.addi %mul3A_100, %add3A_135 : i32
        %swap3A_137 = arith.index_cast %add3A_136 : i32 to index
        %swap3A_138 = tpu.vector_load %arg8[%swap3A_137] {strides = array<i32>} : memref<16384xf32, #tpu.memory_space<vmem>>, vector<16xf32>,
        tpu.vector_store %arg8[%swap3A_137], %gather3A_111 {strides = array<i32>} : memref<16384xf32, #tpu.memory_space<vmem>>, vector<16xf32>,
        %add3A_139 = arith.constant 64 : i32
        %add3A_140 = arith.addi %mul3A_100, %add3A_139 : i32
        %swap3A_141 = arith.index_cast %add3A_140 : i32 to index
        %swap3A_142 = tpu.vector_load %arg8[%swap3A_141] {strides = array<i32>} : memref<16384xf32, #tpu.memory_space<vmem>>, vector<16xf32>,
        tpu.vector_store %arg8[%swap3A_141], %gather3A_114 {strides = array<i32>} : memref<16384xf32, #tpu.memory_space<vmem>>, vector<16xf32>,
        %add3A_143 = arith.constant 80 : i32
        %add3A_144 = arith.addi %mul3A_100, %add3A_143 : i32
        %swap3A_145 = arith.index_cast %add3A_144 : i32 to index
        %swap3A_146 = tpu.vector_load %arg8[%swap3A_145] {strides = array<i32>} : memref<16384xf32, #tpu.memory_space<vmem>>, vector<16xf32>,
        tpu.vector_store %arg8[%swap3A_145], %gather3A_117 {strides = array<i32>} : memref<16384xf32, #tpu.memory_space<vmem>>, vector<16xf32>,
        %add3A_147 = arith.constant 96 : i32
        %add3A_148 = arith.addi %mul3A_100, %add3A_147 : i32
        %swap3A_149 = arith.index_cast %add3A_148 : i32 to index
        %swap3A_150 = tpu.vector_load %arg8[%swap3A_149] {strides = array<i32>} : memref<16384xf32, #tpu.memory_space<vmem>>, vector<16xf32>,
        tpu.vector_store %arg8[%swap3A_149], %gather3A_120 {strides = array<i32>} : memref<16384xf32, #tpu.memory_space<vmem>>, vector<16xf32>,
        %add3A_151 = arith.constant 112 : i32
        %add3A_152 = arith.addi %mul3A_100, %add3A_151 : i32
        %swap3A_153 = arith.index_cast %add3A_152 : i32 to index
        %swap3A_154 = tpu.vector_load %arg8[%swap3A_153] {strides = array<i32>} : memref<16384xf32, #tpu.memory_space<vmem>>, vector<16xf32>,
        tpu.vector_store %arg8[%swap3A_153], %gather3A_123 {strides = array<i32>} : memref<16384xf32, #tpu.memory_space<vmem>>, vector<16xf32>,
        %scan3A_155 = arith.constant 1 : i32
        %scan3A_156 = arith.addi %scan3A_98, %scan3A_155 : i32
        %mul3A_157 = arith.constant 128 : i32
        %mul3A_158 = arith.muli %scan3A_156, %mul3A_157 : i32
        %add3A_159 = vector.broadcast %mul3A_158 : i32 to vector<16xi32>
        %add3A_160 = arith.addi %get3A_10, %add3A_159 : vector<16xi32>
        %gather3A_161 = tpu.vector_load_idx %arg6[%add3A_160] : memref<16384xf32, #tpu.memory_space<vmem>>[vector<16xi32>], vector<16xf32>,
        %add3A_162 = vector.broadcast %mul3A_158 : i32 to vector<16xi32>
        %add3A_163 = arith.addi %get3A_12, %add3A_162 : vector<16xi32>
        %gather3A_164 = tpu.vector_load_idx %arg6[%add3A_163] : memref<16384xf32, #tpu.memory_space<vmem>>[vector<16xi32>], vector<16xf32>,
        %add3A_165 = vector.broadcast %mul3A_158 : i32 to vector<16xi32>
        %add3A_166 = arith.addi %get3A_14, %add3A_165 : vector<16xi32>
        %gather3A_167 = tpu.vector_load_idx %arg6[%add3A_166] : memref<16384xf32, #tpu.memory_space<vmem>>[vector<16xi32>], vector<16xf32>,
        %add3A_168 = vector.broadcast %mul3A_158 : i32 to vector<16xi32>
        %add3A_169 = arith.addi %get3A_16, %add3A_168 : vector<16xi32>
        %gather3A_170 = tpu.vector_load_idx %arg6[%add3A_169] : memref<16384xf32, #tpu.memory_space<vmem>>[vector<16xi32>], vector<16xf32>,
        %add3A_171 = vector.broadcast %mul3A_158 : i32 to vector<16xi32>
        %add3A_172 = arith.addi %get3A_18, %add3A_171 : vector<16xi32>
        %gather3A_173 = tpu.vector_load_idx %arg6[%add3A_172] : memref<16384xf32, #tpu.memory_space<vmem>>[vector<16xi32>], vector<16xf32>,
        %add3A_174 = vector.broadcast %mul3A_158 : i32 to vector<16xi32>
        %add3A_175 = arith.addi %get3A_20, %add3A_174 : vector<16xi32>
        %gather3A_176 = tpu.vector_load_idx %arg6[%add3A_175] : memref<16384xf32, #tpu.memory_space<vmem>>[vector<16xi32>], vector<16xf32>,
        %add3A_177 = vector.broadcast %mul3A_158 : i32 to vector<16xi32>
        %add3A_178 = arith.addi %get3A_22, %add3A_177 : vector<16xi32>
        %gather3A_179 = tpu.vector_load_idx %arg6[%add3A_178] : memref<16384xf32, #tpu.memory_space<vmem>>[vector<16xi32>], vector<16xf32>,
        %add3A_180 = vector.broadcast %mul3A_158 : i32 to vector<16xi32>
        %add3A_181 = arith.addi %get3A_24, %add3A_180 : vector<16xi32>
        %gather3A_182 = tpu.vector_load_idx %arg6[%add3A_181] : memref<16384xf32, #tpu.memory_space<vmem>>[vector<16xi32>], vector<16xf32>,
        %add3A_183 = arith.constant 0 : i32
        %add3A_184 = arith.addi %mul3A_158, %add3A_183 : i32
        %swap3A_185 = arith.index_cast %add3A_184 : i32 to index
        %swap3A_186 = tpu.vector_load %arg8[%swap3A_185] {strides = array<i32>} : memref<16384xf32, #tpu.memory_space<vmem>>, vector<16xf32>,
        tpu.vector_store %arg8[%swap3A_185], %gather3A_161 {strides = array<i32>} : memref<16384xf32, #tpu.memory_space<vmem>>, vector<16xf32>,
        %add3A_187 = arith.constant 16 : i32
        %add3A_188 = arith.addi %mul3A_158, %add3A_187 : i32
        %swap3A_189 = arith.index_cast %add3A_188 : i32 to index
        %swap3A_190 = tpu.vector_load %arg8[%swap3A_189] {strides = array<i32>} : memref<16384xf32, #tpu.memory_space<vmem>>, vector<16xf32>,
        tpu.vector_store %arg8[%swap3A_189], %gather3A_164 {strides = array<i32>} : memref<16384xf32, #tpu.memory_space<vmem>>, vector<16xf32>,
        %add3A_191 = arith.constant 32 : i32
        %add3A_192 = arith.addi %mul3A_158, %add3A_191 : i32
        %swap3A_193 = arith.index_cast %add3A_192 : i32 to index
        %swap3A_194 = tpu.vector_load %arg8[%swap3A_193] {strides = array<i32>} : memref<16384xf32, #tpu.memory_space<vmem>>, vector<16xf32>,
        tpu.vector_store %arg8[%swap3A_193], %gather3A_167 {strides = array<i32>} : memref<16384xf32, #tpu.memory_space<vmem>>, vector<16xf32>,
        %add3A_195 = arith.constant 48 : i32
        %add3A_196 = arith.addi %mul3A_158, %add3A_195 : i32
        %swap3A_197 = arith.index_cast %add3A_196 : i32 to index
        %swap3A_198 = tpu.vector_load %arg8[%swap3A_197] {strides = array<i32>} : memref<16384xf32, #tpu.memory_space<vmem>>, vector<16xf32>,
        tpu.vector_store %arg8[%swap3A_197], %gather3A_170 {strides = array<i32>} : memref<16384xf32, #tpu.memory_space<vmem>>, vector<16xf32>,
        %add3A_199 = arith.constant 64 : i32
        %add3A_200 = arith.addi %mul3A_158, %add3A_199 : i32
        %swap3A_201 = arith.index_cast %add3A_200 : i32 to index
        %swap3A_202 = tpu.vector_load %arg8[%swap3A_201] {strides = array<i32>} : memref<16384xf32, #tpu.memory_space<vmem>>, vector<16xf32>,
        tpu.vector_store %arg8[%swap3A_201], %gather3A_173 {strides = array<i32>} : memref<16384xf32, #tpu.memory_space<vmem>>, vector<16xf32>,
        %add3A_203 = arith.constant 80 : i32
        %add3A_204 = arith.addi %mul3A_158, %add3A_203 : i32
        %swap3A_205 = arith.index_cast %add3A_204 : i32 to index
        %swap3A_206 = tpu.vector_load %arg8[%swap3A_205] {strides = array<i32>} : memref<16384xf32, #tpu.memory_space<vmem>>, vector<16xf32>,
        tpu.vector_store %arg8[%swap3A_205], %gather3A_176 {strides = array<i32>} : memref<16384xf32, #tpu.memory_space<vmem>>, vector<16xf32>,
        %add3A_207 = arith.constant 96 : i32
        %add3A_208 = arith.addi %mul3A_158, %add3A_207 : i32
        %swap3A_209 = arith.index_cast %add3A_208 : i32 to index
        %swap3A_210 = tpu.vector_load %arg8[%swap3A_209] {strides = array<i32>} : memref<16384xf32, #tpu.memory_space<vmem>>, vector<16xf32>,
        tpu.vector_store %arg8[%swap3A_209], %gather3A_179 {strides = array<i32>} : memref<16384xf32, #tpu.memory_space<vmem>>, vector<16xf32>,
        %add3A_211 = arith.constant 112 : i32
        %add3A_212 = arith.addi %mul3A_158, %add3A_211 : i32
        %swap3A_213 = arith.index_cast %add3A_212 : i32 to index
        %swap3A_214 = tpu.vector_load %arg8[%swap3A_213] {strides = array<i32>} : memref<16384xf32, #tpu.memory_space<vmem>>, vector<16xf32>,
        tpu.vector_store %arg8[%swap3A_213], %gather3A_182 {strides = array<i32>} : memref<16384xf32, #tpu.memory_space<vmem>>, vector<16xf32>,
      }
      %scan3A_54 = arith.constant 128 : i32
      %add3A_55 = arith.constant 2 : i32
      %add3A_56 = arith.addi %add3A_41, %add3A_55 : i32
      %lt3A = arith.constant 128 : i32
      %lt3A_57 = arith.cmpi slt, %add3A_56, %lt3A : i32
      %convert_element_type3A_58 = arith.extui %lt3A_57 : i1 to i32
      %cond3A_59 = arith.constant 0 : i32
      %cond3A_60 = arith.cmpi ne, %convert_element_type3A_58, %cond3A_59 : i32
      scf.if %cond3A_60 {
        %add3A_98 = arith.constant 2 : i32
        %add3A_99 = arith.addi %add3A_41, %add3A_98 : i32
        %mul3A_100 = arith.constant 16384 : i32
        %mul3A_101 = arith.muli %add3A_99, %mul3A_100 : i32
        %add3A_102 = arith.addi %mul3A_2, %mul3A_101 : i32
        %dma_start3A_103 = tpu.memref_slice %arg2[%add3A_102] : memref<67108864xf32, #tpu.memory_space<hbm>> -> memref<16384xf32, #tpu.memory_space<hbm>>
        %dma_start3A_104 = tpu.memref_slice %arg2[%add3A_102] : memref<67108864xf32, #tpu.memory_space<hbm>> -> memref<16384xf32, #tpu.memory_space<hbm>>
        tpu.enqueue_dma source(%dma_start3A_104 : memref<16384xf32, #tpu.memory_space<hbm>>) target(%arg6 : memref<16384xf32, #tpu.memory_space<vmem>>) target_semaphore(%arg10 : memref<!tpu.dma_semaphore, #tpu.memory_space<semaphore_mem>>)
      } else {
      }
      %mul3A_61 = arith.constant 16384 : i32
      %mul3A_62 = arith.muli %add3A_41, %mul3A_61 : i32
      %add3A_63 = arith.addi %mul3A_2, %mul3A_62 : i32
      %dma_start3A_64 = tpu.memref_slice %arg4[%add3A_63] : memref<67108864xf32, #tpu.memory_space<hbm>> -> memref<16384xf32, #tpu.memory_space<hbm>>
      %dma_start3A_65 = tpu.memref_slice %arg4[%add3A_63] : memref<67108864xf32, #tpu.memory_space<hbm>> -> memref<16384xf32, #tpu.memory_space<hbm>>
      tpu.enqueue_dma source(%arg8 : memref<16384xf32, #tpu.memory_space<vmem>>) target(%dma_start3A_65 : memref<16384xf32, #tpu.memory_space<hbm>>) target_semaphore(%arg12 : memref<!tpu.dma_semaphore, #tpu.memory_space<semaphore_mem>>)
      %mul3A_66 = arith.constant 2 : i32
      %mul3A_67 = arith.muli %mul3A_66, %scan3A_37 : i32
      %add3A_68 = arith.constant 1 : i32
      %add3A_69 = arith.addi %mul3A_67, %add3A_68 : i32
      %mul3A_70 = arith.constant 16384 : i32
      %mul3A_71 = arith.muli %add3A_69, %mul3A_70 : i32
      %add3A_72 = arith.addi %mul3A_2, %mul3A_71 : i32
      %dma_wait3A_73 = tpu.memref_slice %arg2[%add3A_72] : memref<67108864xf32, #tpu.memory_space<hbm>> -> memref<16384xf32, #tpu.memory_space<hbm>>
      %dma_wait3A_74 = tpu.memref_slice %arg2[%add3A_72] : memref<67108864xf32, #tpu.memory_space<hbm>> -> memref<16384xf32, #tpu.memory_space<hbm>>
      tpu.wait_dma2 semaphore(%arg11 : memref<!tpu.dma_semaphore, #tpu.memory_space<semaphore_mem>>) src(%dma_wait3A_74 : memref<16384xf32, #tpu.memory_space<hbm>>) dst(%arg7 : memref<16384xf32, #tpu.memory_space<vmem>>)
      %ge3A_75 = arith.constant 2 : i32
      %ge3A_76 = arith.cmpi sge, %add3A_69, %ge3A_75 : i32
      %convert_element_type3A_77 = arith.extui %ge3A_76 : i1 to i32
      %cond3A_78 = arith.constant 0 : i32
      %cond3A_79 = arith.cmpi ne, %convert_element_type3A_77, %cond3A_78 : i32
      scf.if %cond3A_79 {
        %sub3A = arith.constant 2 : i32
        %sub3A_98 = arith.subi %add3A_69, %sub3A : i32
        %mul3A_99 = arith.constant 16384 : i32
        %mul3A_100 = arith.muli %sub3A_98, %mul3A_99 : i32
        %add3A_101 = arith.addi %mul3A_2, %mul3A_100 : i32
        %dma_wait3A_102 = tpu.memref_slice %arg4[%add3A_101] : memref<67108864xf32, #tpu.memory_space<hbm>> -> memref<16384xf32, #tpu.memory_space<hbm>>
        %dma_wait3A_103 = tpu.memref_slice %arg4[%add3A_101] : memref<67108864xf32, #tpu.memory_space<hbm>> -> memref<16384xf32, #tpu.memory_space<hbm>>
        tpu.wait_dma2 semaphore(%arg13 : memref<!tpu.dma_semaphore, #tpu.memory_space<semaphore_mem>>) src(%arg9 : memref<16384xf32, #tpu.memory_space<vmem>>) dst(%dma_wait3A_103 : memref<16384xf32, #tpu.memory_space<hbm>>)
      } else {
      }
      %scan3A_80 = arith.constant 0 : i32
      %scan3A_81 = arith.constant 0 : i32
      %scan3A_82 = arith.constant 128 : i32
      %scan3A_83 = arith.addi %scan3A_81, %scan3A_82 : i32
      %scan3A_84 = arith.constant 2 : i32
      scf.for %scan3A_98 = %scan3A_81 to %scan3A_83 step %scan3A_84  : i32 {
        %mul3A_99 = arith.constant 128 : i32
        %mul3A_100 = arith.muli %scan3A_98, %mul3A_99 : i32
        %add3A_101 = vector.broadcast %mul3A_100 : i32 to vector<16xi32>
        %add3A_102 = arith.addi %get3A_10, %add3A_101 : vector<16xi32>
        %gather3A = tpu.vector_load_idx %arg7[%add3A_102] : memref<16384xf32, #tpu.memory_space<vmem>>[vector<16xi32>], vector<16xf32>,
        %add3A_103 = vector.broadcast %mul3A_100 : i32 to vector<16xi32>
        %add3A_104 = arith.addi %get3A_12, %add3A_103 : vector<16xi32>
        %gather3A_105 = tpu.vector_load_idx %arg7[%add3A_104] : memref<16384xf32, #tpu.memory_space<vmem>>[vector<16xi32>], vector<16xf32>,
        %add3A_106 = vector.broadcast %mul3A_100 : i32 to vector<16xi32>
        %add3A_107 = arith.addi %get3A_14, %add3A_106 : vector<16xi32>
        %gather3A_108 = tpu.vector_load_idx %arg7[%add3A_107] : memref<16384xf32, #tpu.memory_space<vmem>>[vector<16xi32>], vector<16xf32>,
        %add3A_109 = vector.broadcast %mul3A_100 : i32 to vector<16xi32>
        %add3A_110 = arith.addi %get3A_16, %add3A_109 : vector<16xi32>
        %gather3A_111 = tpu.vector_load_idx %arg7[%add3A_110] : memref<16384xf32, #tpu.memory_space<vmem>>[vector<16xi32>], vector<16xf32>,
        %add3A_112 = vector.broadcast %mul3A_100 : i32 to vector<16xi32>
        %add3A_113 = arith.addi %get3A_18, %add3A_112 : vector<16xi32>
        %gather3A_114 = tpu.vector_load_idx %arg7[%add3A_113] : memref<16384xf32, #tpu.memory_space<vmem>>[vector<16xi32>], vector<16xf32>,
        %add3A_115 = vector.broadcast %mul3A_100 : i32 to vector<16xi32>
        %add3A_116 = arith.addi %get3A_20, %add3A_115 : vector<16xi32>
        %gather3A_117 = tpu.vector_load_idx %arg7[%add3A_116] : memref<16384xf32, #tpu.memory_space<vmem>>[vector<16xi32>], vector<16xf32>,
        %add3A_118 = vector.broadcast %mul3A_100 : i32 to vector<16xi32>
        %add3A_119 = arith.addi %get3A_22, %add3A_118 : vector<16xi32>
        %gather3A_120 = tpu.vector_load_idx %arg7[%add3A_119] : memref<16384xf32, #tpu.memory_space<vmem>>[vector<16xi32>], vector<16xf32>,
        %add3A_121 = vector.broadcast %mul3A_100 : i32 to vector<16xi32>
        %add3A_122 = arith.addi %get3A_24, %add3A_121 : vector<16xi32>
        %gather3A_123 = tpu.vector_load_idx %arg7[%add3A_122] : memref<16384xf32, #tpu.memory_space<vmem>>[vector<16xi32>], vector<16xf32>,
        %add3A_124 = arith.constant 0 : i32
        %add3A_125 = arith.addi %mul3A_100, %add3A_124 : i32
        %swap3A = arith.index_cast %add3A_125 : i32 to index
        %swap3A_126 = tpu.vector_load %arg9[%swap3A] {strides = array<i32>} : memref<16384xf32, #tpu.memory_space<vmem>>, vector<16xf32>,
        tpu.vector_store %arg9[%swap3A], %gather3A {strides = array<i32>} : memref<16384xf32, #tpu.memory_space<vmem>>, vector<16xf32>,
        %add3A_127 = arith.constant 16 : i32
        %add3A_128 = arith.addi %mul3A_100, %add3A_127 : i32
        %swap3A_129 = arith.index_cast %add3A_128 : i32 to index
        %swap3A_130 = tpu.vector_load %arg9[%swap3A_129] {strides = array<i32>} : memref<16384xf32, #tpu.memory_space<vmem>>, vector<16xf32>,
        tpu.vector_store %arg9[%swap3A_129], %gather3A_105 {strides = array<i32>} : memref<16384xf32, #tpu.memory_space<vmem>>, vector<16xf32>,
        %add3A_131 = arith.constant 32 : i32
        %add3A_132 = arith.addi %mul3A_100, %add3A_131 : i32
        %swap3A_133 = arith.index_cast %add3A_132 : i32 to index
        %swap3A_134 = tpu.vector_load %arg9[%swap3A_133] {strides = array<i32>} : memref<16384xf32, #tpu.memory_space<vmem>>, vector<16xf32>,
        tpu.vector_store %arg9[%swap3A_133], %gather3A_108 {strides = array<i32>} : memref<16384xf32, #tpu.memory_space<vmem>>, vector<16xf32>,
        %add3A_135 = arith.constant 48 : i32
        %add3A_136 = arith.addi %mul3A_100, %add3A_135 : i32
        %swap3A_137 = arith.index_cast %add3A_136 : i32 to index
        %swap3A_138 = tpu.vector_load %arg9[%swap3A_137] {strides = array<i32>} : memref<16384xf32, #tpu.memory_space<vmem>>, vector<16xf32>,
        tpu.vector_store %arg9[%swap3A_137], %gather3A_111 {strides = array<i32>} : memref<16384xf32, #tpu.memory_space<vmem>>, vector<16xf32>,
        %add3A_139 = arith.constant 64 : i32
        %add3A_140 = arith.addi %mul3A_100, %add3A_139 : i32
        %swap3A_141 = arith.index_cast %add3A_140 : i32 to index
        %swap3A_142 = tpu.vector_load %arg9[%swap3A_141] {strides = array<i32>} : memref<16384xf32, #tpu.memory_space<vmem>>, vector<16xf32>,
        tpu.vector_store %arg9[%swap3A_141], %gather3A_114 {strides = array<i32>} : memref<16384xf32, #tpu.memory_space<vmem>>, vector<16xf32>,
        %add3A_143 = arith.constant 80 : i32
        %add3A_144 = arith.addi %mul3A_100, %add3A_143 : i32
        %swap3A_145 = arith.index_cast %add3A_144 : i32 to index
        %swap3A_146 = tpu.vector_load %arg9[%swap3A_145] {strides = array<i32>} : memref<16384xf32, #tpu.memory_space<vmem>>, vector<16xf32>,
        tpu.vector_store %arg9[%swap3A_145], %gather3A_117 {strides = array<i32>} : memref<16384xf32, #tpu.memory_space<vmem>>, vector<16xf32>,
        %add3A_147 = arith.constant 96 : i32
        %add3A_148 = arith.addi %mul3A_100, %add3A_147 : i32
        %swap3A_149 = arith.index_cast %add3A_148 : i32 to index
        %swap3A_150 = tpu.vector_load %arg9[%swap3A_149] {strides = array<i32>} : memref<16384xf32, #tpu.memory_space<vmem>>, vector<16xf32>,
        tpu.vector_store %arg9[%swap3A_149], %gather3A_120 {strides = array<i32>} : memref<16384xf32, #tpu.memory_space<vmem>>, vector<16xf32>,
        %add3A_151 = arith.constant 112 : i32
        %add3A_152 = arith.addi %mul3A_100, %add3A_151 : i32
        %swap3A_153 = arith.index_cast %add3A_152 : i32 to index
        %swap3A_154 = tpu.vector_load %arg9[%swap3A_153] {strides = array<i32>} : memref<16384xf32, #tpu.memory_space<vmem>>, vector<16xf32>,
        tpu.vector_store %arg9[%swap3A_153], %gather3A_123 {strides = array<i32>} : memref<16384xf32, #tpu.memory_space<vmem>>, vector<16xf32>,
        %scan3A_155 = arith.constant 1 : i32
        %scan3A_156 = arith.addi %scan3A_98, %scan3A_155 : i32
        %mul3A_157 = arith.constant 128 : i32
        %mul3A_158 = arith.muli %scan3A_156, %mul3A_157 : i32
        %add3A_159 = vector.broadcast %mul3A_158 : i32 to vector<16xi32>
        %add3A_160 = arith.addi %get3A_10, %add3A_159 : vector<16xi32>
        %gather3A_161 = tpu.vector_load_idx %arg7[%add3A_160] : memref<16384xf32, #tpu.memory_space<vmem>>[vector<16xi32>], vector<16xf32>,
        %add3A_162 = vector.broadcast %mul3A_158 : i32 to vector<16xi32>
        %add3A_163 = arith.addi %get3A_12, %add3A_162 : vector<16xi32>
        %gather3A_164 = tpu.vector_load_idx %arg7[%add3A_163] : memref<16384xf32, #tpu.memory_space<vmem>>[vector<16xi32>], vector<16xf32>,
        %add3A_165 = vector.broadcast %mul3A_158 : i32 to vector<16xi32>
        %add3A_166 = arith.addi %get3A_14, %add3A_165 : vector<16xi32>
        %gather3A_167 = tpu.vector_load_idx %arg7[%add3A_166] : memref<16384xf32, #tpu.memory_space<vmem>>[vector<16xi32>], vector<16xf32>,
        %add3A_168 = vector.broadcast %mul3A_158 : i32 to vector<16xi32>
        %add3A_169 = arith.addi %get3A_16, %add3A_168 : vector<16xi32>
        %gather3A_170 = tpu.vector_load_idx %arg7[%add3A_169] : memref<16384xf32, #tpu.memory_space<vmem>>[vector<16xi32>], vector<16xf32>,
        %add3A_171 = vector.broadcast %mul3A_158 : i32 to vector<16xi32>
        %add3A_172 = arith.addi %get3A_18, %add3A_171 : vector<16xi32>
        %gather3A_173 = tpu.vector_load_idx %arg7[%add3A_172] : memref<16384xf32, #tpu.memory_space<vmem>>[vector<16xi32>], vector<16xf32>,
        %add3A_174 = vector.broadcast %mul3A_158 : i32 to vector<16xi32>
        %add3A_175 = arith.addi %get3A_20, %add3A_174 : vector<16xi32>
        %gather3A_176 = tpu.vector_load_idx %arg7[%add3A_175] : memref<16384xf32, #tpu.memory_space<vmem>>[vector<16xi32>], vector<16xf32>,
        %add3A_177 = vector.broadcast %mul3A_158 : i32 to vector<16xi32>
        %add3A_178 = arith.addi %get3A_22, %add3A_177 : vector<16xi32>
        %gather3A_179 = tpu.vector_load_idx %arg7[%add3A_178] : memref<16384xf32, #tpu.memory_space<vmem>>[vector<16xi32>], vector<16xf32>,
        %add3A_180 = vector.broadcast %mul3A_158 : i32 to vector<16xi32>
        %add3A_181 = arith.addi %get3A_24, %add3A_180 : vector<16xi32>
        %gather3A_182 = tpu.vector_load_idx %arg7[%add3A_181] : memref<16384xf32, #tpu.memory_space<vmem>>[vector<16xi32>], vector<16xf32>,
        %add3A_183 = arith.constant 0 : i32
        %add3A_184 = arith.addi %mul3A_158, %add3A_183 : i32
        %swap3A_185 = arith.index_cast %add3A_184 : i32 to index
        %swap3A_186 = tpu.vector_load %arg9[%swap3A_185] {strides = array<i32>} : memref<16384xf32, #tpu.memory_space<vmem>>, vector<16xf32>,
        tpu.vector_store %arg9[%swap3A_185], %gather3A_161 {strides = array<i32>} : memref<16384xf32, #tpu.memory_space<vmem>>, vector<16xf32>,
        %add3A_187 = arith.constant 16 : i32
        %add3A_188 = arith.addi %mul3A_158, %add3A_187 : i32
        %swap3A_189 = arith.index_cast %add3A_188 : i32 to index
        %swap3A_190 = tpu.vector_load %arg9[%swap3A_189] {strides = array<i32>} : memref<16384xf32, #tpu.memory_space<vmem>>, vector<16xf32>,
        tpu.vector_store %arg9[%swap3A_189], %gather3A_164 {strides = array<i32>} : memref<16384xf32, #tpu.memory_space<vmem>>, vector<16xf32>,
        %add3A_191 = arith.constant 32 : i32
        %add3A_192 = arith.addi %mul3A_158, %add3A_191 : i32
        %swap3A_193 = arith.index_cast %add3A_192 : i32 to index
        %swap3A_194 = tpu.vector_load %arg9[%swap3A_193] {strides = array<i32>} : memref<16384xf32, #tpu.memory_space<vmem>>, vector<16xf32>,
        tpu.vector_store %arg9[%swap3A_193], %gather3A_167 {strides = array<i32>} : memref<16384xf32, #tpu.memory_space<vmem>>, vector<16xf32>,
        %add3A_195 = arith.constant 48 : i32
        %add3A_196 = arith.addi %mul3A_158, %add3A_195 : i32
        %swap3A_197 = arith.index_cast %add3A_196 : i32 to index
        %swap3A_198 = tpu.vector_load %arg9[%swap3A_197] {strides = array<i32>} : memref<16384xf32, #tpu.memory_space<vmem>>, vector<16xf32>,
        tpu.vector_store %arg9[%swap3A_197], %gather3A_170 {strides = array<i32>} : memref<16384xf32, #tpu.memory_space<vmem>>, vector<16xf32>,
        %add3A_199 = arith.constant 64 : i32
        %add3A_200 = arith.addi %mul3A_158, %add3A_199 : i32
        %swap3A_201 = arith.index_cast %add3A_200 : i32 to index
        %swap3A_202 = tpu.vector_load %arg9[%swap3A_201] {strides = array<i32>} : memref<16384xf32, #tpu.memory_space<vmem>>, vector<16xf32>,
        tpu.vector_store %arg9[%swap3A_201], %gather3A_173 {strides = array<i32>} : memref<16384xf32, #tpu.memory_space<vmem>>, vector<16xf32>,
        %add3A_203 = arith.constant 80 : i32
        %add3A_204 = arith.addi %mul3A_158, %add3A_203 : i32
        %swap3A_205 = arith.index_cast %add3A_204 : i32 to index
        %swap3A_206 = tpu.vector_load %arg9[%swap3A_205] {strides = array<i32>} : memref<16384xf32, #tpu.memory_space<vmem>>, vector<16xf32>,
        tpu.vector_store %arg9[%swap3A_205], %gather3A_176 {strides = array<i32>} : memref<16384xf32, #tpu.memory_space<vmem>>, vector<16xf32>,
        %add3A_207 = arith.constant 96 : i32
        %add3A_208 = arith.addi %mul3A_158, %add3A_207 : i32
        %swap3A_209 = arith.index_cast %add3A_208 : i32 to index
        %swap3A_210 = tpu.vector_load %arg9[%swap3A_209] {strides = array<i32>} : memref<16384xf32, #tpu.memory_space<vmem>>, vector<16xf32>,
        tpu.vector_store %arg9[%swap3A_209], %gather3A_179 {strides = array<i32>} : memref<16384xf32, #tpu.memory_space<vmem>>, vector<16xf32>,
        %add3A_211 = arith.constant 112 : i32
        %add3A_212 = arith.addi %mul3A_158, %add3A_211 : i32
        %swap3A_213 = arith.index_cast %add3A_212 : i32 to index
        %swap3A_214 = tpu.vector_load %arg9[%swap3A_213] {strides = array<i32>} : memref<16384xf32, #tpu.memory_space<vmem>>, vector<16xf32>,
        tpu.vector_store %arg9[%swap3A_213], %gather3A_182 {strides = array<i32>} : memref<16384xf32, #tpu.memory_space<vmem>>, vector<16xf32>,
      }
      %scan3A_85 = arith.constant 128 : i32
      %add3A_86 = arith.constant 2 : i32
      %add3A_87 = arith.addi %add3A_69, %add3A_86 : i32
      %lt3A_88 = arith.constant 128 : i32
      %lt3A_89 = arith.cmpi slt, %add3A_87, %lt3A_88 : i32
      %convert_element_type3A_90 = arith.extui %lt3A_89 : i1 to i32
      %cond3A_91 = arith.constant 0 : i32
      %cond3A_92 = arith.cmpi ne, %convert_element_type3A_90, %cond3A_91 : i32
      scf.if %cond3A_92 {
        %add3A_98 = arith.constant 2 : i32
        %add3A_99 = arith.addi %add3A_69, %add3A_98 : i32
        %mul3A_100 = arith.constant 16384 : i32
        %mul3A_101 = arith.muli %add3A_99, %mul3A_100 : i32
        %add3A_102 = arith.addi %mul3A_2, %mul3A_101 : i32
        %dma_start3A_103 = tpu.memref_slice %arg2[%add3A_102] : memref<67108864xf32, #tpu.memory_space<hbm>> -> memref<16384xf32, #tpu.memory_space<hbm>>
        %dma_start3A_104 = tpu.memref_slice %arg2[%add3A_102] : memref<67108864xf32, #tpu.memory_space<hbm>> -> memref<16384xf32, #tpu.memory_space<hbm>>
        tpu.enqueue_dma source(%dma_start3A_104 : memref<16384xf32, #tpu.memory_space<hbm>>) target(%arg7 : memref<16384xf32, #tpu.memory_space<vmem>>) target_semaphore(%arg11 : memref<!tpu.dma_semaphore, #tpu.memory_space<semaphore_mem>>)
      } else {
      }
      %mul3A_93 = arith.constant 16384 : i32
      %mul3A_94 = arith.muli %add3A_69, %mul3A_93 : i32
      %add3A_95 = arith.addi %mul3A_2, %mul3A_94 : i32
      %dma_start3A_96 = tpu.memref_slice %arg4[%add3A_95] : memref<67108864xf32, #tpu.memory_space<hbm>> -> memref<16384xf32, #tpu.memory_space<hbm>>
      %dma_start3A_97 = tpu.memref_slice %arg4[%add3A_95] : memref<67108864xf32, #tpu.memory_space<hbm>> -> memref<16384xf32, #tpu.memory_space<hbm>>
      tpu.enqueue_dma source(%arg9 : memref<16384xf32, #tpu.memory_space<vmem>>) target(%dma_start3A_97 : memref<16384xf32, #tpu.memory_space<hbm>>) target_semaphore(%arg13 : memref<!tpu.dma_semaphore, #tpu.memory_space<semaphore_mem>>)
    }
    %scan3A_29 = arith.constant 64 : i32
    %add3A_30 = arith.constant 2064384 : i32
    %add3A_31 = arith.addi %mul3A_2, %add3A_30 : i32
    %dma_wait3A = tpu.memref_slice %arg4[%add3A_31] : memref<67108864xf32, #tpu.memory_space<hbm>> -> memref<16384xf32, #tpu.memory_space<hbm>>
    %dma_wait3A_32 = tpu.memref_slice %arg4[%add3A_31] : memref<67108864xf32, #tpu.memory_space<hbm>> -> memref<16384xf32, #tpu.memory_space<hbm>>
    tpu.wait_dma2 semaphore(%arg12 : memref<!tpu.dma_semaphore, #tpu.memory_space<semaphore_mem>>) src(%arg8 : memref<16384xf32, #tpu.memory_space<vmem>>) dst(%dma_wait3A_32 : memref<16384xf32, #tpu.memory_space<hbm>>)
    %add3A_33 = arith.constant 2080768 : i32
    %add3A_34 = arith.addi %mul3A_2, %add3A_33 : i32
    %dma_wait3A_35 = tpu.memref_slice %arg4[%add3A_34] : memref<67108864xf32, #tpu.memory_space<hbm>> -> memref<16384xf32, #tpu.memory_space<hbm>>
    %dma_wait3A_36 = tpu.memref_slice %arg4[%add3A_34] : memref<67108864xf32, #tpu.memory_space<hbm>> -> memref<16384xf32, #tpu.memory_space<hbm>>
    tpu.wait_dma2 semaphore(%arg13 : memref<!tpu.dma_semaphore, #tpu.memory_space<semaphore_mem>>) src(%arg9 : memref<16384xf32, #tpu.memory_space<vmem>>) dst(%dma_wait3A_36 : memref<16384xf32, #tpu.memory_space<hbm>>)
    return
  }
}

</mosaic_0001>

<sc_bundles>
// kernel: kernel.3.cloned.1.call-start
scs
__scs_entry_jumppad:
0x0: {  	(pc) =	sbr.rel $0x88, $3  }
0x1: {  	(tag) =	ssettag $0x0;
	lr =	simm.s32 $0x1  }
0x2: {  	[smem:$0x3F9F] =	sst lr;
	_ =	strace $0xD0000000  }
0x3: {  	_ = 	snop  }
0x4: {  	_ = 	snop  }
0x5: {  	_ = 	snop  }
0x6: {  	_ = 	snop  }
0x7: {  	_ = 	snop  }
__scs_overlays_trampoline_lowered:
0x8: {  	[smem:$0x3FAE] =	sst s0  }
0x9: {  	[smem:$0x3FAF] =	sst s1  }
0xa: {  	[smem:$0x3FB0] =	sst s2  }
0xb: {  	[smem:$0x3FB1] =	sst s3  }
0xc: {  	[smem:$0x3FB2] =	sst s4  }
0xd: {  	[smem:$0x3FB3] =	sst s5  }
0xe: {  	[smem:$0x3FB4] =	sst s6  }
0xf: {  	[smem:$0x3FB5] =	sst s7  }
0x10: {  	[smem:$0x3FB6] =	sst s8  }
0x11: {  	[smem:$0x3FB7] =	sst s9;
	s0 =	simm.s32 @!p0 $0x0  }
0x12: {  	s1 =	sld [smem:$0x3F9D];
	s0 =	simm.s32 @p0 $0x1  }
0x13: {  	[smem:$0x3FB8] =	sst s0;
	s0 =	simm.s32 @!p1 $0x0  }
0x14: {  	s2 =	sld [smem:$0x3F9C];
	s0 =	simm.s32 @p1 $0x1  }
0x15: {  	[smem:$0x3FB9] =	sst s0;
	s0 =	simm.s32 @!p2 $0x0  }
0x16: {  	s3 =	sld [smem:$0x3FDB];
	s0 =	simm.s32 @p2 $0x1  }
0x17: {  	s4 =	simm.s32 $0x1BF5;
	[smem:$0x3FBB] =	sst s0  }
0x18: {  	s0 =	sld [smem:$0x3F9E];
	_ =	swait.ge [sflag:s4], $0x0  }
0x19: {  	s7 =	sld [smem:$0x3F9F]  }
0x1a: {  	s8 =	sadd.s32 $0xFFFFE003, lr  }
0x1b: {  	s9 =	sadd.s32 $0xFFFFFEF7, lr;
	s5 =	simm.s32 $0xFFFFFFFF;
	p2 =	slt.u32 s8, $0xFFFFF086  }
0x1c: {  	p1 =	slt.u32 s9, $0xF7A;
	s5 =	simm.s32 @!p2 $0x0  }
0x1d: {  	s5 =	simm.s32 @p1 $0x1;
	p0 =	seq.s32 s7, s2  }
0x1e: {  	s7 =	smul.u32 @!p0 $0xF7A, s2;
	p2 =	seq.s32 @!p0 s5, $0x0  }
0x1f: {  	s9 =	smul.u32 $0xF7A, s1;
	s8 =	simm.s32 @!p0 $0x1BF5;
	p2 =	por !p2, p0  }
0x20: {  	[sflag:s8] =	ssyncset.s32 @!p0 $0xFFFFF086;
	s6 =	sadd.s32 @!p0 s3, s7;
	s7 =	simm.s32 @!p0 $0x108  }
0x21: {  	s3 =	sadd.s32 s3, s9;
	s6 =	sadd.s32 @!p0 $0x88, s6;
	s7 =	simm.s32 @p2 $0x1082  }
0x22: {  	[simem:s7], [sflag:s8] =	dma.local @!p0 [hbm:s6], $0xF7A  }
0x23: {  	s9 =	sor.u32 $0xD0000000, s2;
	s6 =	simm.s32 $0x108;
	_ =	swait.ge @!p0 [sflag:s8], $0x0  }
0x24: {  	s3 =	sadd.s32 $0x88, s3;
	s6 =	simm.s32 @!p1 $0x1082;
	[sflag:s4] =	ssyncset.s32 $0xFFFFF086  }
0x25: {  	[simem:s6], [sflag:s4] =	dma.local [hbm:s3], $0xF7A  }
0x26: {  	[smem:$0x3F9F] =	sst s1;
	(tag) =	ssettag s2;
	_ =	strace s9  }
0x27: {  	s1 =	sld [smem:$0x3FAF]  }
0x28: {  	s2 =	sld [smem:$0x3FB0]  }
0x29: {  	s4 =	sld [smem:$0x3FB2]  }
0x2a: {  	p0 =	seq.s32 s5, $0x0;
	s5 =	sld [smem:$0x3FB3]  }
0x2b: {  	s6 =	sld [smem:$0x3FB4]  }
0x2c: {  	s7 =	sld [smem:$0x3FB5]  }
0x2d: {  	s3 =	simm.s32 $0x108;
	s8 =	sld [smem:$0x3FB6]  }
0x2e: {  	s3 =	simm.s32 @!p0 $0x1082;
	s9 =	sld [smem:$0x3FB7]  }
0x2f: {  	lr =	sadd.s32 s0, s3;
	s0 =	sld [smem:$0x3FAE]  }
0x30: {  	s3 =	sld [smem:$0x3FB1]  }
0x31: {  	[smem:$0x3FBA] =	sst s10  }
0x32: {  	s10 =	sld [smem:$0x3FB8];
	_ =	sdelay $0x3  }
0x33: {  	p0 =	seq.s32 s10, $0x1;
	s10 =	sld [smem:$0x3FBA];
	_ =	sdelay $0x3  }
0x34: {  	[smem:$0x3FBA] =	sst s10  }
0x35: {  	s10 =	sld [smem:$0x3FB9];
	_ =	sdelay $0x3  }
0x36: {  	p1 =	seq.s32 s10, $0x1;
	s10 =	sld [smem:$0x3FBA];
	_ =	sdelay $0x3  }
0x37: {  	[smem:$0x3FBA] =	sst s10  }
0x38: {  	s10 =	sld [smem:$0x3FBB]  }
0x39: {  	_ = 	snop;
	(pc) =	sbr.ind lr, $3  }
0x3a: {  	_ = 	snop  }
0x3b: {  	_ = 	snop  }
0x3c: {  	p2 =	seq.s32 s10, $0x1;
	s10 =	sld [smem:$0x3FBA]  }
0x3d: {  	_ =	shalt  }
0x3e: {  	_ =	shalt  }
0x3f: {  	_ =	shalt  }
0x40: {  	_ =	shalt  }
0x41: {  	_ =	shalt  }
0x42: {  	_ =	shalt  }
0x43: {  	_ =	shalt  }
0x44: {  	_ =	shalt  }
0x45: {  	_ =	shalt  }
0x46: {  	_ =	shalt  }
0x47: {  	_ =	shalt  }
0x48: {  	_ =	shalt  }
0x49: {  	_ =	shalt  }
0x4a: {  	_ =	shalt  }
0x4b: {  	_ =	shalt  }
0x4c: {  	_ =	shalt  }
0x4d: {  	_ =	shalt  }
0x4e: {  	_ =	shalt  }
0x4f: {  	_ =	shalt  }
0x50: {  	_ =	shalt  }
0x51: {  	_ =	shalt  }
0x52: {  	_ =	shalt  }
0x53: {  	_ =	shalt  }
0x54: {  	_ =	shalt  }
0x55: {  	_ =	shalt  }
0x56: {  	_ =	shalt  }
0x57: {  	_ =	shalt  }
0x58: {  	_ =	shalt  }
0x59: {  	_ =	shalt  }
0x5a: {  	_ =	shalt  }
0x5b: {  	_ =	shalt  }
0x5c: {  	_ =	shalt  }
0x5d: {  	_ =	shalt  }
0x5e: {  	_ =	shalt  }
0x5f: {  	_ =	shalt  }
0x60: {  	_ =	shalt  }
0x61: {  	_ =	shalt  }
0x62: {  	_ =	shalt  }
0x63: {  	_ =	shalt  }
0x64: {  	_ =	shalt  }
0x65: {  	_ =	shalt  }
0x66: {  	_ =	shalt  }
0x67: {  	_ =	shalt  }
0x68: {  	_ =	shalt  }
0x69: {  	_ =	shalt  }
0x6a: {  	_ =	shalt  }
0x6b: {  	_ =	shalt  }
0x6c: {  	_ =	shalt  }
0x6d: {  	_ =	shalt  }
0x6e: {  	_ =	shalt  }
0x6f: {  	_ =	shalt  }
0x70: {  	_ =	shalt  }
0x71: {  	_ =	shalt  }
0x72: {  	_ =	shalt  }
0x73: {  	_ =	shalt  }
0x74: {  	_ =	shalt  }
0x75: {  	_ =	shalt  }
0x76: {  	_ =	shalt  }
0x77: {  	_ =	shalt  }
0x78: {  	_ =	shalt  }
0x79: {  	_ =	shalt  }
0x7a: {  	_ =	shalt  }
0x7b: {  	_ =	shalt  }
0x7c: {  	_ =	shalt  }
0x7d: {  	_ =	shalt  }
0x7e: {  	_ =	shalt  }
0x7f: {  	_ =	shalt  }
0x80: {  	_ =	shalt  }
0x81: {  	_ =	shalt  }
0x82: {  	_ =	shalt  }
0x83: {  	_ =	shalt  }
0x84: {  	_ =	shalt  }
0x85: {  	_ =	shalt  }
0x86: {  	_ =	shalt  }
0x87: {  	_ =	shalt  }
.Lfunc_end0:
.L_simem_size_0:
called_computation_lowered:
.L_overlay_start_0:
0x88: {  	s2 =	sld [smem:$0x3FD9]  }
0x89: {  	s3 =	sld [smem:$0x3FFE];
	_ =	sdelay $0x1  }
0x8a: {  	s1 =	srdreg.scid  }
0x8b: {  	s0 =	sand.u32 $0x1, s1  }
0x8c: {  	s15 =	sshll.u32 s0, $0xA;
	s2 =	sadd.s32 s3, s2  }
0x8d: {  	s2 =	sadd.s32 s2, s15  }
0x8e: {  	[smem:$0x3FC6] =	sst s2  }
0x8f: {  	_ = 	snop  }
0x90: {  	s2 =	sld [smem:$0x3FD0];
	_ =	sdelay $0x1  }
0x91: {  	s16 =	sld [smem:$0x3FC9]  }
0x92: {  	s5 =	simm.s32 $0xA;
	s6 =	simm.s32 $0x10;
	s4 =	sld [smem:$0x3FC8]  }
0x93: {  	[smem:s6], [sflag:s5] =	dma.local [hbm:s2], $0x1  }
0x94: {  	_ =	swait.eq [sflag:s5], $0x1  }
0x95: {  	[sflag:s5] =	ssyncset.done $0x0  }
0x96: {  	[sflag:s5] =	ssyncadd.s32 $0xFFFFFFFF  }
0x97: {  	s17 =	sld [smem:$0x10];
	(tm) =	ssettm $0x1  }
0x98: {  	s18 =	sld [smem:$0x3FFB];
	_ =	sdelay $0x3  }
0x99: {  	_ =	strace s18  }
0x9a: {  	s5 =	sld [smem:$0x3FFC];
	_ =	sdelay $0x3  }
0x9b: {  	_ =	strace s5  }
0x9c: {  	s5 =	sld [smem:$0x3FFD];
	_ =	sdelay $0x3  }
0x9d: {  	_ =	strace s5  }
0x9e: {  	_ =	strace $0x8FFFFFFF  }
0x9f: {  	s19 =	sld [smem:$0x3FDB];
	_ =	sdelay $0x1  }
0xa0: {  	s20 =	simm.s32 $_scs_section_size  }
0xa1: {  	s7 =	simm.s32 $_size__tile_overlayer_lowered;
	s8 =	simm.s32 $_tile_overlayer_lowered  }
0xa2: {  	s23 =	simm.s32 $0x1BFF;
	s22 =	sshll.u32 s8, $0x1;
	s5 =	sadd.s32 s20, s19  }
0xa3: {  	s9 =	simm.s32 $0x0;
	s21 =	sshll.u32 s7, $0x1;
	s7 =	sadd.s32 s22, s5  }
0xa4: {  	[timem:s9], [sflag:s23] =	dma.local [hbm:s7], s21  }
0xa5: {  	_ =	swait.ge [sflag:s23], s21  }
0xa6: {  	s6 =	ssub.s32 $0x0, s21;
	[sflag:s23] =	ssyncset.done $0x0  }
0xa7: {  	[sflag:s23] =	ssyncadd.s32 s6;
	_ =	sdelay $0x1  }
0xa8: {  	s24 =	simm.s32 $0x1B8B  }
0xa9: {  	_ =	swait.ge [sflag:s24], $0x1  }
0xaa: {  	[sflag:s24] =	ssyncset.done $0x0  }
0xab: {  	s25 =	simm.s32 $0x1B8E;
	[sflag:s24] =	ssyncadd.s32 $0xFFFFFFFF  }
0xac: {  	s26 =	simm.s32 $execute0_lowered;
	[smem:$0x3FD2] =	sst s25  }
0xad: {  	s6 =	sshll.u32 s26, $0x1;
	_ =	strace $0x80000046;
	[dreg:$0x1] =	wrdreg $0xFFFFFFFF  }
0xae: {  	s28 =	simm.s32 $_size_execute0_lowered;
	s5 =	sadd.s32 s5, s6;
	[dreg:$0x0] =	wrdreg $0x0  }
0xaf: {  	s6 =	sshll.u32 s28, $0x1;
	[dreg:$0x2] =	wrdreg s5  }
0xb0: {  	[dreg:$0x3] =	wrdreg s6  }
0xb1: {  	[dreg:$0x4] =	wrdreg $0xC0  }
0xb2: {  	_ =	task [dreg:s9], $0x5FFFF  }
0xb3: {  	[dreg:$0x1] =	wrdreg $0xFFFFFFFF  }
0xb4: {  	[dreg:$0x0] =	wrdreg $0x60  }
0xb5: {  	[dreg:$0x2] =	wrdreg s16  }
0xb6: {  	[dreg:$0x3] =	wrdreg s4  }
0xb7: {  	[dreg:$0x4] =	wrdreg s17  }
0xb8: {  	[dreg:$0x5] =	wrdreg $0x9  }
0xb9: {  	_ =	task.clear_ibuf [dreg:s9], $0x6FFFF;
	_ =	strace $0x90000046  }
0xba: {  	s29 =	simm.s32 $0x9;
	_ =	strace $0x80000048  }
0xbb: {  	_ =	swait.ge [sflag:s29], $0x1  }
0xbc: {  	[sflag:s29] =	ssyncadd.s32 $0xFFFFFFFF  }
0xbd: {  	_ =	strace $0x90000048  }
0xbe: {  	_ =	sfence  }
0xbf: {  	s30 =	sld [smem:$0x0];
	_ =	sdelay $0x2  }
0xc0: {  	s31 =	sshll.u32 s1, $0xD;
	s1 =	sshrl.u32 s1, $0x2  }
0xc1: {  	s3 =	sand.u32 $0x4000, s31;
	s1 =	sadd.s32 s1, s30  }
0xc2: {  	s0 =	sor.u32 s3, s0;
	s1 =	sshll.u32 s1, $0x11  }
0xc3: {  	s0 =	sor.u32 s1, s0  }
0xc4: {  	s0 =	sadd.s32 $0x8F2B, s0  }
0xc5: {  	[sflag:s0] =	ssyncadd.remote.s32 $0x1  }
0xc6: {  	_ =	sfence.sel $0xFFFF  }
0xc7: {  	[dreg:$0x0] =	wrdreg $0xFFFFFFFF;
	(pc) =	sbr.abs _section_cstart, $3  }
0xc8: {  	[dreg:$0x1] =	wrdreg $0xFFFFFFFF  }
0xc9: {  	_ =	task.clear_ibuf [dreg:s9], $0x2FFFF;
	_ =	strace $0x9FFFFFFF  }
0xca: {  	(tm) =	ssettm $0x7FFFFFFF  }
0xcb: {  	_ =	shalt  }
tec
execute0_lowered:
.L_overlay_start_1:
0x0: {  	(tag) =	ssettag $0x1  }
0x1: {  	s1 =	rddreg [dreg:$0x0]  }
0x2: {  	s2 =	srdreg.scid;
	s3 =	rddreg [dreg:$0x1]  }
0x3: {  	s0 =	stileid.u32;
	s4 =	rddreg [dreg:$0x2]  }
0x4: {  	s5 =	simm.s32 $0x0;
	s12 =	simm.s32 $0x5;
	s13 =	simm.s32 $0x80  }
0x5: {  	s14 =	simm.s32 $0x4080;
	s15 =	simm.s32 $0x1;
	s16 =	simm.s32 $0x8080  }
0x6: {  	s17 =	simm.s32 $0x2;
	s18 =	simm.s32 $0xC080;
	s19 =	simm.s32 $0x3  }
0x7: {  	s20 =	simm.s32 $0x4;
	s21 =	simm.s32 $0x0;
	s7 =	sand.u32 $0x1, s2  }
0x8: {  	s6 =	sshll.u32 s0, $0x16;
	s2 =	rddreg [dreg:$0x3];
	s8 =	sshll.u32 s7, $0x15  }
0x9: {  	[smem:$0x7FF] =	sst s5;
	s30 =	ssub.s32 $0x2, s7;
	s6 =	sor.u32 s8, s6  }
0xa: {  	_ =	strace $0x80000047;
	s9 =	sshrl.u32 s30, $0x1;
	s31 =	sshrl.u32 s6, $0x3  }
0xb: {  	s11 =	ssub.s32 s30, s9;
	s9 =	sor.u32 $0x8000, s6;
	s7 =	sadd.s32 s1, s31  }
0xc: {  	s10 =	sor.u32 $0xC000, s6;
	s11 =	smax.u32 s11, $0x1;
	s8 =	sadd.s32 $0x800, s7  }
.LBB2_1:
0xd: {  	[tilespmem:s5], [sflag:$0x5] =	stream.linear.gather [hbm4b:s3+s5], $0x80, $0x38;
	[tilespmem:$0x10080] =	vst v63  }
0xe: {  	_ =	swait.ge [sflag:s12], $0x80  }
0xf: {  	[sflag:s12] =	ssyncset.done $0x0  }
0x10: {  	[sflag:s12] =	ssyncadd.s32 $0xFFFFFF80  }
0x11: {  	[tilespmem:s13], [sflag:$0x1] =	stream.linear.gather [hbm4b:s7+s5], $0x4000, $0x38;
	[tilespmem:$0x10080] =	vst v63  }
0x12: {  	_ = 	snop  }
0x13: {  	[tilespmem:s14], [sflag:$0x2] =	stream.linear.gather [hbm4b:s8+s5], $0x4000, $0x38;
	[tilespmem:$0x10080] =	vst v63  }
0x14: {  	v0 =	vld [tilespmem:$0x0]  }
0x15: {  	v1 =	vld [tilespmem:$0x10]  }
0x16: {  	v2 =	vld [tilespmem:$0x20]  }
0x17: {  	v3 =	vld [tilespmem:$0x30]  }
0x18: {  	v4 =	vld [tilespmem:$0x40]  }
0x19: {  	v5 =	vld [tilespmem:$0x50]  }
0x1a: {  	v6 =	vld [tilespmem:$0x60]  }
0x1b: {  	s22 =	simm.s32 $0x0;
	v7 =	vld [tilespmem:$0x70]  }
.LBB2_2:
0x1c: {  	_ =	swait.ge [sflag:s15], $0x4000;
	s24 =	simm.s32 $0x0  }
0x1d: {  	p0 =	seq.s32 s22, $0x0;
	[sflag:s15] =	ssyncset.done $0x0;
	v10 =	vadd.s32 s24, v0  }
0x1e: {  	s23 =	simm.s32 @!p0 $0x3;
	v12 =	vadd.s32 s24, v4;
	[sflag:s15] =	ssyncadd.s32 $0xFFFFC000  }
0x1f: {  	v13 =	vadd.s32 s24, v2;
	_ =	swait.ge @!p0 [sflag:s23], $0x4000  }
0x20: {  	v14 =	vadd.s32 s24, v3;
	[sflag:s23] =	ssyncset.done @!p0 $0x0  }
0x21: {  	v15 =	vadd.s32 s24, v1;
	[sflag:s23] =	ssyncadd.s32 @!p0 $0xFFFFC000  }
0x22: {  	v11 =	vadd.s32 s24, v5;
	v10 =	vld.idx.msk [tilespmem:v10+s13+$0x0], $0xffff  }
0x23: {  	v9 =	vadd.s32 s24, v7;
	v12 =	vld.idx.msk [tilespmem:v12+s13+$0x0], $0xffff  }
0x24: {  	v8 =	vadd.s32 s24, v6;
	v13 =	vld.idx.msk [tilespmem:v13+s13+$0x0], $0xffff  }
0x25: {  	v14 =	vld.idx.msk [tilespmem:v14+s13+$0x0], $0xffff  }
0x26: {  	v15 =	vld.idx.msk [tilespmem:v15+s13+$0x0], $0xffff  }
0x27: {  	v11 =	vld.idx.msk [tilespmem:v11+s13+$0x0], $0xffff  }
0x28: {  	s26 =	simm.s32 $0x8100;
	v9 =	vld.idx.msk [tilespmem:v9+s13+$0x0], $0xffff  }
0x29: {  	v8 =	vld.idx.msk [tilespmem:v8+s13+$0x0], $0xffff;
	[tilespmem:s26+$0xFFFFFF80] =	vst v10  }
0x2a: {  	[tilespmem:s26+$0xFFFFFFC0] =	vst v12  }
0x2b: {  	s28 =	simm.s32 $0x80;
	[tilespmem:s26+$0xFFFFFFA0] =	vst v13  }
0x2c: {  	v10 =	vadd.s32 s28, v5;
	[tilespmem:s26+$0xFFFFFFB0] =	vst v14  }
0x2d: {  	[tilespmem:s26+$0xFFFFFFF0] =	vst v9;
	v9 =	vadd.s32 s28, v0  }
0x2e: {  	[tilespmem:s26+$0xFFFFFF90] =	vst v15;
	v12 =	vadd.s32 s28, v3  }
0x2f: {  	[tilespmem:s26+$0xFFFFFFD0] =	vst v11;
	v11 =	vadd.s32 s28, v7  }
0x30: {  	v13 =	vadd.s32 s28, v6;
	[tilespmem:s26+$0xFFFFFFE0] =	vst v8  }
0x31: {  	s23 =	sshll.u32 s22, $0xF;
	v14 =	vadd.s32 s28, v4;
	v10 =	vld.idx.msk [tilespmem:v10+s13+$0x0], $0xffff  }
0x32: {  	s29 =	simm.s32 $0x0;
	s25 =	sor.u32 s6, s23;
	v15 =	vadd.s32 s28, v2;
	v8 =	vadd.s32 s28, v1;
	s28 =	simm.s32 $0x8100;
	v9 =	vld.idx.msk [tilespmem:v9+s13+$0x0], $0xffff  }
.LBB2_3:
0x33: {  	s29 =	sadd.s32 $0x2, s29;
	v12 =	vld.idx.msk [tilespmem:v12+s13+$0x0], $0xffff;
	s24 =	sadd.s32 $0x100, s24;
	s26 =	sadd.s32 $0x100, s26  }
0x34: {  	p1 =	slt.u32 s29, $0x7E;
	v11 =	vld.idx.msk [tilespmem:v11+s13+$0x0], $0xffff  }
0x35: {  	v13 =	vld.idx.msk [tilespmem:v13+s13+$0x0], $0xffff  }
0x36: {  	v14 =	vld.idx.msk [tilespmem:v14+s13+$0x0], $0xffff  }
0x37: {  	v15 =	vld.idx.msk [tilespmem:v15+s13+$0x0], $0xffff  }
0x38: {  	v8 =	vld.idx.msk [tilespmem:v8+s13+$0x0], $0xffff  }
0x39: {  	[tilespmem:s28+$0x0] =	vst v9  }
0x3a: {  	[tilespmem:s28+$0x70] =	vst v11  }
0x3b: {  	[tilespmem:s28+$0x50] =	vst v10  }
0x3c: {  	v9 =	vadd.s32 s24, v6;
	[tilespmem:s28+$0x40] =	vst v14  }
0x3d: {  	v10 =	vadd.s32 s24, v7;
	[tilespmem:s28+$0x20] =	vst v15  }
0x3e: {  	v11 =	vadd.s32 s24, v0;
	[tilespmem:s28+$0x60] =	vst v13  }
0x3f: {  	v13 =	vadd.s32 s24, v5;
	[tilespmem:s28+$0x30] =	vst v12  }
0x40: {  	v12 =	vadd.s32 s24, v4;
	[tilespmem:s28+$0x10] =	vst v8;
	s28 =	smov.u32 s26  }
0x41: {  	v14 =	vadd.s32 s24, v2;
	v15 =	vadd.s32 s24, v3;
	v8 =	vadd.s32 s24, v1;
	v9 =	vld.idx.msk [tilespmem:v9+s13+$0x0], $0xffff  }
0x42: {  	v10 =	vld.idx.msk [tilespmem:v10+s13+$0x0], $0xffff  }
0x43: {  	v11 =	vld.idx.msk [tilespmem:v11+s13+$0x0], $0xffff  }
0x44: {  	v13 =	vld.idx.msk [tilespmem:v13+s13+$0x0], $0xffff  }
0x45: {  	v12 =	vld.idx.msk [tilespmem:v12+s13+$0x0], $0xffff  }
0x46: {  	v14 =	vld.idx.msk [tilespmem:v14+s13+$0x0], $0xffff  }
0x47: {  	v15 =	vld.idx.msk [tilespmem:v15+s13+$0x0], $0xffff  }
0x48: {  	v16 =	vld.idx.msk [tilespmem:v8+s13+$0x0], $0xffff  }
0x49: {  	[tilespmem:s26+$0xFFFFFFF0] =	vst v10  }
0x4a: {  	[tilespmem:s26+$0xFFFFFF80] =	vst v11  }
0x4b: {  	s30 =	sadd.s32 $0x80, s24;
	[tilespmem:s26+$0xFFFFFFD0] =	vst v13  }
0x4c: {  	v8 =	vadd.s32 s30, v1;
	v10 =	vadd.s32 s30, v0;
	[tilespmem:s26+$0xFFFFFFC0] =	vst v12  }
0x4d: {  	v17 =	vadd.s32 s30, v5;
	[tilespmem:s26+$0xFFFFFFA0] =	vst v14  }
.Ltmp0:
0x4e: {  	v12 =	vadd.s32 s30, v3;
	[tilespmem:s26+$0xFFFFFFB0] =	vst v15;
	(pc) =	sbr.rel @p1 .LBB2_3-.Ltmp0, $4  }
0x4f: {  	v11 =	vadd.s32 s30, v7;
	[tilespmem:s26+$0xFFFFFF90] =	vst v16  }
0x50: {  	v13 =	vadd.s32 s30, v6;
	[tilespmem:s26+$0xFFFFFFE0] =	vst v9  }
0x51: {  	v14 =	vadd.s32 s30, v4;
	v9 =	vld.idx.msk [tilespmem:v10+s13+$0x0], $0xffff  }
0x52: {  	v15 =	vadd.s32 s30, v2;
	v10 =	vld.idx.msk [tilespmem:v17+s13+$0x0], $0xffff  }
0x53: {  	_ =	sdelay $0x3  }
0x54: {  	v12 =	vld.idx.msk [tilespmem:v12+s13+$0x0], $0xffff  }
0x55: {  	v11 =	vld.idx.msk [tilespmem:v11+s13+$0x0], $0xffff  }
0x56: {  	v13 =	vld.idx.msk [tilespmem:v13+s13+$0x0], $0xffff  }
0x57: {  	v14 =	vld.idx.msk [tilespmem:v14+s13+$0x0], $0xffff  }
0x58: {  	v15 =	vld.idx.msk [tilespmem:v15+s13+$0x0], $0xffff  }
0x59: {  	v8 =	vld.idx.msk [tilespmem:v8+s13+$0x0], $0xffff;
	[tilespmem:s28+$0x0] =	vst v9  }
0x5a: {  	[tilespmem:s28+$0x50] =	vst v10  }
0x5b: {  	[tilespmem:s28+$0x70] =	vst v11  }
0x5c: {  	[tilespmem:s28+$0x40] =	vst v14  }
0x5d: {  	p1 =	seq.s32 s22, $0x3F;
	[tilespmem:s28+$0x20] =	vst v15  }
0x5e: {  	s24 =	sadd.s32 @!p1 s23, s9;
	[tilespmem:s28+$0x60] =	vst v13  }
0x5f: {  	s24 =	sshrl.u32 @!p1 s24, $0x3;
	[tilespmem:s28+$0x30] =	vst v12  }
0x60: {  	s26 =	simm.s32 @!p1 $0x0;
	s24 =	sadd.s32 @!p1 s1, s24;
	[tilespmem:s28+$0x10] =	vst v8;
	s28 =	simm.s32 @!p1 $0x80  }
0x61: {  	[tilespmem:s28], [sflag:$0x1] =	stream.linear.gather @!p1 [hbm4b:s24+s26], $0x4000, $0x38;
	[tilespmem:$0x10080] =	vst v63  }
0x62: {  	s24 =	sshrl.u32 s25, $0x3  }
0x63: {  	s25 =	sadd.s32 s4, s24  }
0x64: {  	[hbm4b:s25+s5] =	stream.linear.scatter [tilespmem:s16], [sflag:$0x3], $0x4000, $0x38;
	[tilespmem:$0x10080] =	vst v63  }
0x65: {  	s25 =	simm.s32 $0x0;
	_ =	swait.ge [sflag:s17], $0x4000  }
0x66: {  	v8 =	vadd.s32 s25, v6;
	[sflag:s17] =	ssyncset.done $0x0  }
0x67: {  	s26 =	simm.s32 @!p0 $0x4;
	v9 =	vadd.s32 s25, v7;
	[sflag:s17] =	ssyncadd.s32 $0xFFFFC000  }
0x68: {  	v10 =	vadd.s32 s25, v0;
	_ =	swait.ge @!p0 [sflag:s26], $0x4000  }
0x69: {  	v11 =	vadd.s32 s25, v5;
	[sflag:s26] =	ssyncset.done @!p0 $0x0  }
0x6a: {  	v12 =	vadd.s32 s25, v4;
	[sflag:s26] =	ssyncadd.s32 @!p0 $0xFFFFC000  }
0x6b: {  	v13 =	vadd.s32 s25, v2;
	v8 =	vld.idx.msk [tilespmem:v8+s14+$0x0], $0xffff  }
0x6c: {  	v14 =	vadd.s32 s25, v3;
	v9 =	vld.idx.msk [tilespmem:v9+s14+$0x0], $0xffff  }
0x6d: {  	v15 =	vadd.s32 s25, v1;
	v10 =	vld.idx.msk [tilespmem:v10+s14+$0x0], $0xffff  }
0x6e: {  	v11 =	vld.idx.msk [tilespmem:v11+s14+$0x0], $0xffff  }
0x6f: {  	v12 =	vld.idx.msk [tilespmem:v12+s14+$0x0], $0xffff  }
0x70: {  	v13 =	vld.idx.msk [tilespmem:v13+s14+$0x0], $0xffff  }
0x71: {  	s26 =	simm.s32 $0xC100;
	v14 =	vld.idx.msk [tilespmem:v14+s14+$0x0], $0xffff  }
0x72: {  	v15 =	vld.idx.msk [tilespmem:v15+s14+$0x0], $0xffff;
	[tilespmem:s26+$0xFFFFFFF0] =	vst v9  }
0x73: {  	[tilespmem:s26+$0xFFFFFF80] =	vst v10  }
0x74: {  	s28 =	simm.s32 $0x80;
	[tilespmem:s26+$0xFFFFFFD0] =	vst v11  }
0x75: {  	[tilespmem:s26+$0xFFFFFFC0] =	vst v12;
	v9 =	vadd.s32 s28, v0  }
0x76: {  	[tilespmem:s26+$0xFFFFFFA0] =	vst v13;
	v10 =	vadd.s32 s28, v5  }
0x77: {  	[tilespmem:s26+$0xFFFFFFB0] =	vst v14;
	v12 =	vadd.s32 s28, v3  }
0x78: {  	[tilespmem:s26+$0xFFFFFF90] =	vst v15;
	v11 =	vadd.s32 s28, v7  }
0x79: {  	[tilespmem:s26+$0xFFFFFFE0] =	vst v8;
	v13 =	vadd.s32 s28, v6  }
0x7a: {  	v14 =	vadd.s32 s28, v4;
	v9 =	vld.idx.msk [tilespmem:v9+s14+$0x0], $0xffff  }
0x7b: {  	s29 =	simm.s32 $0x0;
	v8 =	vadd.s32 s28, v1;
	v15 =	vadd.s32 s28, v2;
	s28 =	simm.s32 $0xC100;
	v10 =	vld.idx.msk [tilespmem:v10+s14+$0x0], $0xffff  }
.LBB2_5:
0x7c: {  	s29 =	sadd.s32 $0x2, s29;
	v12 =	vld.idx.msk [tilespmem:v12+s14+$0x0], $0xffff;
	s25 =	sadd.s32 $0x100, s25;
	s26 =	sadd.s32 $0x100, s26  }
0x7d: {  	p0 =	slt.u32 s29, $0x7E;
	v11 =	vld.idx.msk [tilespmem:v11+s14+$0x0], $0xffff  }
0x7e: {  	v13 =	vld.idx.msk [tilespmem:v13+s14+$0x0], $0xffff  }
0x7f: {  	v14 =	vld.idx.msk [tilespmem:v14+s14+$0x0], $0xffff  }
0x80: {  	v15 =	vld.idx.msk [tilespmem:v15+s14+$0x0], $0xffff  }
0x81: {  	v8 =	vld.idx.msk [tilespmem:v8+s14+$0x0], $0xffff  }
0x82: {  	[tilespmem:s28+$0x0] =	vst v9  }
0x83: {  	[tilespmem:s28+$0x70] =	vst v11  }
0x84: {  	[tilespmem:s28+$0x50] =	vst v10  }
0x85: {  	v9 =	vadd.s32 s25, v6;
	[tilespmem:s28+$0x40] =	vst v14  }
0x86: {  	v10 =	vadd.s32 s25, v7;
	[tilespmem:s28+$0x20] =	vst v15  }
0x87: {  	v11 =	vadd.s32 s25, v0;
	[tilespmem:s28+$0x60] =	vst v13  }
0x88: {  	v13 =	vadd.s32 s25, v5;
	[tilespmem:s28+$0x30] =	vst v12  }
0x89: {  	v12 =	vadd.s32 s25, v4;
	[tilespmem:s28+$0x10] =	vst v8;
	s28 =	smov.u32 s26  }
0x8a: {  	v14 =	vadd.s32 s25, v2;
	v15 =	vadd.s32 s25, v3;
	v8 =	vadd.s32 s25, v1;
	v9 =	vld.idx.msk [tilespmem:v9+s14+$0x0], $0xffff  }
0x8b: {  	v10 =	vld.idx.msk [tilespmem:v10+s14+$0x0], $0xffff  }
0x8c: {  	v11 =	vld.idx.msk [tilespmem:v11+s14+$0x0], $0xffff  }
0x8d: {  	v13 =	vld.idx.msk [tilespmem:v13+s14+$0x0], $0xffff  }
0x8e: {  	v12 =	vld.idx.msk [tilespmem:v12+s14+$0x0], $0xffff  }
0x8f: {  	v14 =	vld.idx.msk [tilespmem:v14+s14+$0x0], $0xffff  }
0x90: {  	v15 =	vld.idx.msk [tilespmem:v15+s14+$0x0], $0xffff  }
0x91: {  	v16 =	vld.idx.msk [tilespmem:v8+s14+$0x0], $0xffff  }
0x92: {  	[tilespmem:s26+$0xFFFFFFF0] =	vst v10  }
0x93: {  	[tilespmem:s26+$0xFFFFFF80] =	vst v11  }
0x94: {  	s30 =	sadd.s32 $0x80, s25;
	[tilespmem:s26+$0xFFFFFFD0] =	vst v13  }
0x95: {  	v8 =	vadd.s32 s30, v1;
	v10 =	vadd.s32 s30, v0;
	[tilespmem:s26+$0xFFFFFFC0] =	vst v12  }
0x96: {  	v17 =	vadd.s32 s30, v5;
	[tilespmem:s26+$0xFFFFFFA0] =	vst v14  }
.Ltmp1:
0x97: {  	v12 =	vadd.s32 s30, v3;
	[tilespmem:s26+$0xFFFFFFB0] =	vst v15;
	(pc) =	sbr.rel @p0 .LBB2_5-.Ltmp1, $4  }
0x98: {  	v11 =	vadd.s32 s30, v7;
	[tilespmem:s26+$0xFFFFFF90] =	vst v16  }
0x99: {  	v13 =	vadd.s32 s30, v6;
	[tilespmem:s26+$0xFFFFFFE0] =	vst v9  }
0x9a: {  	v14 =	vadd.s32 s30, v4;
	v9 =	vld.idx.msk [tilespmem:v10+s14+$0x0], $0xffff  }
0x9b: {  	v15 =	vadd.s32 s30, v2;
	v10 =	vld.idx.msk [tilespmem:v17+s14+$0x0], $0xffff  }
0x9c: {  	_ =	sdelay $0x3  }
0x9d: {  	v12 =	vld.idx.msk [tilespmem:v12+s14+$0x0], $0xffff  }
0x9e: {  	v11 =	vld.idx.msk [tilespmem:v11+s14+$0x0], $0xffff  }
0x9f: {  	v13 =	vld.idx.msk [tilespmem:v13+s14+$0x0], $0xffff  }
0xa0: {  	v14 =	vld.idx.msk [tilespmem:v14+s14+$0x0], $0xffff  }
0xa1: {  	v15 =	vld.idx.msk [tilespmem:v15+s14+$0x0], $0xffff  }
0xa2: {  	v8 =	vld.idx.msk [tilespmem:v8+s14+$0x0], $0xffff;
	[tilespmem:s28+$0x0] =	vst v9  }
0xa3: {  	[tilespmem:s28+$0x50] =	vst v10  }
0xa4: {  	[tilespmem:s28+$0x70] =	vst v11  }
0xa5: {  	[tilespmem:s28+$0x40] =	vst v14  }
0xa6: {  	s22 =	sadd.s32 $0x1, s22;
	[tilespmem:s28+$0x20] =	vst v15  }
0xa7: {  	s23 =	sadd.s32 @!p1 s23, s10;
	p0 =	sne.s32 s22, $0x40;
	[tilespmem:s28+$0x60] =	vst v13  }
.Ltmp2:
0xa8: {  	s25 =	simm.s32 @!p1 $0x0;
	s23 =	sshrl.u32 @!p1 s23, $0x3;
	[tilespmem:s28+$0x30] =	vst v12;
	(pc) =	sbr.rel @p0 .LBB2_2-.Ltmp2, $4  }
0xa9: {  	s26 =	simm.s32 @!p1 $0x4080;
	s31 =	sadd.s32 s24, s4;
	s23 =	sadd.s32 @!p1 s1, s23;
	[tilespmem:s28+$0x10] =	vst v8  }
0xaa: {  	[tilespmem:s26], [sflag:$0x2] =	stream.linear.gather @!p1 [hbm4b:s23+s25], $0x4000, $0x38;
	[tilespmem:$0x10080] =	vst v63  }
0xab: {  	s23 =	sadd.s32 $0x800, s31  }
0xac: {  	[hbm4b:s23+s5] =	stream.linear.scatter [tilespmem:s18], [sflag:$0x4], $0x4000, $0x38;
	[tilespmem:$0x10080] =	vst v63  }
0xad: {  	s21 =	sadd.s32 $0x1, s21  }
0xae: {  	_ =	swait.ge [sflag:s19], $0x4000;
	p0 =	sne.s32 s21, s11  }
.Ltmp3:
0xaf: {  	[sflag:s19] =	ssyncset.done $0x0;
	(pc) =	sbr.rel @p0 .LBB2_1-.Ltmp3, $4  }
0xb0: {  	[sflag:s19] =	ssyncadd.s32 $0xFFFFC000  }
0xb1: {  	_ =	swait.ge [sflag:s20], $0x4000  }
0xb2: {  	[sflag:s20] =	ssyncset.done $0x0  }
0xb3: {  	[sflag:s20] =	ssyncadd.s32 $0xFFFFC000  }
0xb4: {  	_ =	sfence.sel $0x180000  }
0xb5: {  	[bflag:$0x0] =	sbarrier.arrive $0xFFFF  }
0xb6: {  	p0 =	sne.s32 s0, $0x0;
	_ =	strace $0x90000047  }
0xb7: {  	s0 =	sadd.s32 @!p0 $0x100000, s2;
	[bflag:$0x2] =	sbarrier.arrive $0xFFFF  }
0xb8: {  	[sflag:s0] =	ssyncadd.tile.s32 @!p0 $0x1;
	_ =	shalt  }
.Lfunc_end2:
_tile_overlayer_lowered:
.L_overlay_start_2:
0xb9: {  	(tag) =	ssettag $0x2  }
0xba: {  	s0 =	rddreg [dreg:$0x0];
	s2 =	stileid.u32  }
0xbb: {  	s1 =	rddreg [dreg:$0x1];
	p0 =	sne.s32 s2, $0x0  }
0xbc: {  	s3 =	rddreg [dreg:$0x2];
	[bflag:$0x3] =	sbarrier.arrive $0xFFFF;
	s2 =	simm.s32 @!p0 $0x1C05  }
0xbd: {  	[timem:s3], [sflag:s2] =	dma.local @!p0 [hbm:s0], s1  }
0xbe: {  	s0 =	simm.s32 @!p0 $0x5  }
0xbf: {  	_ =	swait.ge @!p0 [sflag:s0], s1  }
0xc0: {  	s1 =	ssub.s32 @!p0 $0x0, s1;
	[sflag:s0] =	ssyncset.done @!p0 $0x0  }
0xc1: {  	[sflag:s0] =	ssyncadd.s32 @!p0 s1  }
0xc2: {  	[bflag:$0x3] =	sbarrier.arrive $0xFFFF  }
0xc3: {  	_ =	shalt  }

</sc_bundles>
